<compile_context>
chip_gen: v7x
topology: tpu7x:2x2x1
jax: 0.10.2.dev20260603
libtpu: 0.0.44.dev20260713+nightly
codegen_flags: <defaults>
</compile_context>

<pallas_src>
import functools

import jax
import jax.numpy as jnp
from jax import lax
from jax.experimental import pallas as pl
from jax.experimental.pallas import tpu as pltpu
from jax.experimental.pallas import tpu_sc as plsc

EXPERTS = 8
TOPK = 2
HIDDEN = 768
BT = 4096

NC = 2
NS = 16
NW = NC * NS
L = 16


def _logits_kernel(w_ref, x_ref, st_out):
    lt = lax.dot_general(
        w_ref[:], x_ref[:], (((1,), (1,)), ((), ())),
        preferred_element_type=jnp.float32)
    st_out[:, :] = jax.nn.sigmoid(lt)


def _tc_scores_t(w, x):
    tokens = x.shape[0]
    grid = (tokens // BT,)
    return pl.pallas_call(
        _logits_kernel,
        grid=grid,
        in_specs=[
            pl.BlockSpec((EXPERTS, HIDDEN), lambda i: (0, 0)),
            pl.BlockSpec((BT, HIDDEN), lambda i: (i, 0)),
        ],
        out_specs=pl.BlockSpec((EXPERTS, BT), lambda i: (0, i)),
        out_shape=jax.ShapeDtypeStruct((EXPERTS, tokens), jnp.float32),
    )(w, x)


def _make_router(tokens):
    tpw = tokens // NW
    mesh = plsc.VectorSubcoreMesh(core_axis_name="c", subcore_axis_name="s")

    @functools.partial(
        pl.kernel,
        mesh=mesh,
        out_type=[
            jax.ShapeDtypeStruct((TOPK * tokens,), jnp.float32),
            jax.ShapeDtypeStruct((TOPK * tokens,), jnp.int32),
        ],
        scratch_types=[
            pltpu.VMEM((EXPERTS, tpw), jnp.float32),
            pltpu.VMEM((EXPERTS, L), jnp.float32),
            pltpu.VMEM((tpw,), jnp.float32),
            pltpu.VMEM((tpw,), jnp.float32),
            pltpu.VMEM((tpw,), jnp.int32),
            pltpu.VMEM((tpw,), jnp.int32),
        ],
    )
    def _route(st_hbm, bsp_hbm, w_hbm, i_hbm, s_v, bsp_v, w1_v, w2_v, i1_v, i2_v):
        wid = lax.axis_index("s") * NC + lax.axis_index("c")
        base = wid * tpw
        pltpu.sync_copy(st_hbm.at[:, pl.ds(base, tpw)], s_v)
        pltpu.sync_copy(bsp_hbm, bsp_v)
        bias = [bsp_v[e, :] for e in range(EXPERTS)]

        def body(j, carry):
            off = j * L
            s = [s_v[e, pl.ds(off, L)] for e in range(EXPERTS)]
            b = [s[e] + bias[e] for e in range(EXPERTS)]
            m1 = b[0]
            i1 = jnp.zeros((L,), jnp.int32)
            m2 = jnp.full((L,), -jnp.inf, jnp.float32)
            i2 = jnp.zeros((L,), jnp.int32)
            for e in range(1, EXPERTS):
                ev = jnp.full((L,), e, jnp.int32)
                gt1 = b[e] > m1
                gt2 = b[e] > m2
                m2 = jnp.where(gt1, m1, jnp.where(gt2, b[e], m2))
                i2 = jnp.where(gt1, i1, jnp.where(gt2, ev, i2))
                m1 = jnp.where(gt1, b[e], m1)
                i1 = jnp.where(gt1, ev, i1)
            w1 = s[0]
            w2 = s[0]
            for e in range(1, EXPERTS):
                ev = jnp.full((L,), e, jnp.int32)
                w1 = jnp.where(i1 == ev, s[e], w1)
                w2 = jnp.where(i2 == ev, s[e], w2)
            denom = w1 + w2
            w1_v[pl.ds(off, L)] = w1 / denom
            w2_v[pl.ds(off, L)] = w2 / denom
            i1_v[pl.ds(off, L)] = i1
            i2_v[pl.ds(off, L)] = i2
            return carry

        lax.fori_loop(0, tpw // L, body, 0)
        pltpu.sync_copy(w1_v, w_hbm.at[pl.ds(base, tpw)])
        pltpu.sync_copy(w2_v, w_hbm.at[pl.ds(tokens + base, tpw)])
        pltpu.sync_copy(i1_v, i_hbm.at[pl.ds(base, tpw)])
        pltpu.sync_copy(i2_v, i_hbm.at[pl.ds(tokens + base, tpw)])

    return _route


@jax.jit
def kernel(x, expert_embeddings, gate_bias):
    tokens = x.shape[0]
    w = expert_embeddings.astype(jnp.float32)
    bias_splat = jnp.broadcast_to(
        gate_bias.astype(jnp.float32).reshape(EXPERTS, 1), (EXPERTS, L))
    s_t = _tc_scores_t(w, x.astype(jnp.float32))
    w_fl, i_fl = _make_router(tokens)(s_t, bias_splat)
    scores = s_t.T
    weights = w_fl.reshape(TOPK, tokens).T
    indices = i_fl.reshape(TOPK, tokens).T
    return (weights, indices, scores)

# --- scband reference (transcript-rebuilt; emitter-appended) ---
"""Pipeline reference for scband-gate-60421599920823 (READ-ONLY COPY).

The authoritative reference and input builder live on the scoring server;
editing this copy changes nothing except your own understanding.
"""

import jax, jax.numpy as jnp
import numpy as np

EXPERTS = 8
TOPK = 2
HIDDEN = 768
TOKENS = 32768
ROUTED_SCALING_FACTOR = 1.0


def setup_inputs(seed: int = 0) -> dict:
    key = jax.random.key(seed)
    k1, k2 = jax.random.split(key)
    x = jax.random.normal(k1, (TOKENS, HIDDEN), dtype=jnp.float32)
    # learned params / buffers per init_kwargs
    expert_embeddings = jax.random.normal(k2, (EXPERTS, HIDDEN), dtype=jnp.float32) * 0.02
    gate_bias = jnp.zeros((EXPERTS,), dtype=jnp.float32)
    return {"x": x, "expert_embeddings": expert_embeddings, "gate_bias": gate_bias}


def reference(x, expert_embeddings, gate_bias):
    # logits = F.linear(x.float(), W.float())  -> x @ W.T
    logits = x.astype(jnp.float32) @ expert_embeddings.astype(jnp.float32).T
    scores = jax.nn.sigmoid(logits)
    biased_scores = scores + gate_bias  # bias buffer present since bias=True and experts > 1
    top_values, indices = jax.lax.top_k(biased_scores, TOPK)
    weights = jnp.take_along_axis(scores, indices, axis=-1)
    weights = weights / jnp.sum(weights, axis=-1, keepdims=True)
    weights = weights * ROUTED_SCALING_FACTOR
    return (weights, indices, scores)

if __name__ == "__main__":
    import jax
    _d = setup_inputs()
    print(jax.jit(kernel)(*tuple(_d.values())))

</pallas_src>

<mosaic_0001>
#map = affine_map<(d0, d1) -> (0, 0)>
#map1 = affine_map<(d0, d1) -> (0)>
module attributes {stable_mosaic.version = 14 : i64} {
  func.func @_route(%arg0: i32, %arg1: i32, %arg2: memref<8x32768xf32, #tpu.memory_space<hbm>>, %arg3: memref<8x16xf32, #tpu.memory_space<hbm>>, %arg4: memref<65536xf32, #tpu.memory_space<hbm>>, %arg5: memref<65536xi32, #tpu.memory_space<hbm>>, %arg6: memref<8x1024xf32, #tpu.memory_space<vmem>>, %arg7: memref<8x16xf32, #tpu.memory_space<vmem>>, %arg8: memref<1024xf32, #tpu.memory_space<vmem>>, %arg9: memref<1024xf32, #tpu.memory_space<vmem>>, %arg10: memref<1024xi32, #tpu.memory_space<vmem>>, %arg11: memref<1024xi32, #tpu.memory_space<vmem>>) attributes {dimension_semantics = [#tpu.dimension_semantics<core_parallel>, #tpu.dimension_semantics<subcore_parallel>], iteration_bounds = array<i64: 2, 16>, scalar_prefetch = 0 : i64, scratch_operands = 6 : i64, tpu.core_type = #tpu.core_type<sc_vector_subcore>, window_params = [{transform_indices = #map}, {transform_indices = #map}, {transform_indices = #map1}, {transform_indices = #map1}]} {
    %mul3A = arith.constant 2 : i32
    %mul3A_0 = arith.muli %arg1, %mul3A : i32
    %add3A = arith.addi %mul3A_0, %arg0 : i32
    %mul3A_1 = arith.constant 1024 : i32
    %mul3A_2 = arith.muli %add3A, %mul3A_1 : i32
    "tpu.region"() ({
      %run_scoped3A = tpu.sem_alloc : memref<!tpu.dma_semaphore, #tpu.memory_space<semaphore_mem>>
      %dma_start3A = arith.constant 0 : i32
      %dma_start3A_51 = tpu.memref_slice %arg2[%dma_start3A, %mul3A_2] : memref<8x32768xf32, #tpu.memory_space<hbm>> -> memref<8x1024xf32, #tpu.memory_space<hbm>>
      %dma_start3A_52 = arith.constant 0 : i32
      %dma_start3A_53 = tpu.memref_slice %arg2[%dma_start3A_52, %mul3A_2] : memref<8x32768xf32, #tpu.memory_space<hbm>> -> memref<8x1024xf32, #tpu.memory_space<hbm>>
      tpu.enqueue_dma source(%dma_start3A_53 : memref<8x1024xf32, #tpu.memory_space<hbm>>) target(%arg6 : memref<8x1024xf32, #tpu.memory_space<vmem>>) target_semaphore(%run_scoped3A : memref<!tpu.dma_semaphore, #tpu.memory_space<semaphore_mem>>)
      %dma_wait3A = arith.constant 0 : i32
      %dma_wait3A_54 = tpu.memref_slice %arg2[%dma_wait3A, %mul3A_2] : memref<8x32768xf32, #tpu.memory_space<hbm>> -> memref<8x1024xf32, #tpu.memory_space<hbm>>
      %dma_wait3A_55 = arith.constant 0 : i32
      %dma_wait3A_56 = tpu.memref_slice %arg2[%dma_wait3A_55, %mul3A_2] : memref<8x32768xf32, #tpu.memory_space<hbm>> -> memref<8x1024xf32, #tpu.memory_space<hbm>>
      tpu.wait_dma2 semaphore(%run_scoped3A : memref<!tpu.dma_semaphore, #tpu.memory_space<semaphore_mem>>) src(%dma_wait3A_56 : memref<8x1024xf32, #tpu.memory_space<hbm>>) dst(%arg6 : memref<8x1024xf32, #tpu.memory_space<vmem>>)
      tpu.yield
    }) : () -> ()
    "tpu.region"() ({
      %run_scoped3A = tpu.sem_alloc : memref<!tpu.dma_semaphore, #tpu.memory_space<semaphore_mem>>
      tpu.enqueue_dma source(%arg3 : memref<8x16xf32, #tpu.memory_space<hbm>>) target(%arg7 : memref<8x16xf32, #tpu.memory_space<vmem>>) target_semaphore(%run_scoped3A : memref<!tpu.dma_semaphore, #tpu.memory_space<semaphore_mem>>)
      tpu.wait_dma2 semaphore(%run_scoped3A : memref<!tpu.dma_semaphore, #tpu.memory_space<semaphore_mem>>) src(%arg3 : memref<8x16xf32, #tpu.memory_space<hbm>>) dst(%arg7 : memref<8x16xf32, #tpu.memory_space<vmem>>)
      tpu.yield
    }) : () -> ()
    %get3A = arith.constant 0 : i32
    %get3A_3 = arith.index_cast %get3A : i32 to index
    %get3A_4 = arith.constant 0 : index
    %get3A_5 = tpu.vector_load %arg7[%get3A_3, %get3A_4] {strides = array<i32>} : memref<8x16xf32, #tpu.memory_space<vmem>>, vector<1x16xf32>,
    %get3A_6 = vector.shape_cast %get3A_5 : vector<1x16xf32> to vector<16xf32>
    %get3A_7 = arith.constant 1 : i32
    %get3A_8 = arith.index_cast %get3A_7 : i32 to index
    %get3A_9 = arith.constant 0 : index
    %get3A_10 = tpu.vector_load %arg7[%get3A_8, %get3A_9] {strides = array<i32>} : memref<8x16xf32, #tpu.memory_space<vmem>>, vector<1x16xf32>,
    %get3A_11 = vector.shape_cast %get3A_10 : vector<1x16xf32> to vector<16xf32>
    %get3A_12 = arith.constant 2 : i32
    %get3A_13 = arith.index_cast %get3A_12 : i32 to index
    %get3A_14 = arith.constant 0 : index
    %get3A_15 = tpu.vector_load %arg7[%get3A_13, %get3A_14] {strides = array<i32>} : memref<8x16xf32, #tpu.memory_space<vmem>>, vector<1x16xf32>,
    %get3A_16 = vector.shape_cast %get3A_15 : vector<1x16xf32> to vector<16xf32>
    %get3A_17 = arith.constant 3 : i32
    %get3A_18 = arith.index_cast %get3A_17 : i32 to index
    %get3A_19 = arith.constant 0 : index
    %get3A_20 = tpu.vector_load %arg7[%get3A_18, %get3A_19] {strides = array<i32>} : memref<8x16xf32, #tpu.memory_space<vmem>>, vector<1x16xf32>,
    %get3A_21 = vector.shape_cast %get3A_20 : vector<1x16xf32> to vector<16xf32>
    %get3A_22 = arith.constant 4 : i32
    %get3A_23 = arith.index_cast %get3A_22 : i32 to index
    %get3A_24 = arith.constant 0 : index
    %get3A_25 = tpu.vector_load %arg7[%get3A_23, %get3A_24] {strides = array<i32>} : memref<8x16xf32, #tpu.memory_space<vmem>>, vector<1x16xf32>,
    %get3A_26 = vector.shape_cast %get3A_25 : vector<1x16xf32> to vector<16xf32>
    %get3A_27 = arith.constant 5 : i32
    %get3A_28 = arith.index_cast %get3A_27 : i32 to index
    %get3A_29 = arith.constant 0 : index
    %get3A_30 = tpu.vector_load %arg7[%get3A_28, %get3A_29] {strides = array<i32>} : memref<8x16xf32, #tpu.memory_space<vmem>>, vector<1x16xf32>,
    %get3A_31 = vector.shape_cast %get3A_30 : vector<1x16xf32> to vector<16xf32>
    %get3A_32 = arith.constant 6 : i32
    %get3A_33 = arith.index_cast %get3A_32 : i32 to index
    %get3A_34 = arith.constant 0 : index
    %get3A_35 = tpu.vector_load %arg7[%get3A_33, %get3A_34] {strides = array<i32>} : memref<8x16xf32, #tpu.memory_space<vmem>>, vector<1x16xf32>,
    %get3A_36 = vector.shape_cast %get3A_35 : vector<1x16xf32> to vector<16xf32>
    %get3A_37 = arith.constant 7 : i32
    %get3A_38 = arith.index_cast %get3A_37 : i32 to index
    %get3A_39 = arith.constant 0 : index
    %get3A_40 = tpu.vector_load %arg7[%get3A_38, %get3A_39] {strides = array<i32>} : memref<8x16xf32, #tpu.memory_space<vmem>>, vector<1x16xf32>,
    %get3A_41 = vector.shape_cast %get3A_40 : vector<1x16xf32> to vector<16xf32>
    %scan3A = arith.constant 0 : i32
    %scan3A_42 = arith.constant 0 : i32
    %scan3A_43 = arith.constant 64 : i32
    %scan3A_44 = arith.addi %scan3A_42, %scan3A_43 : i32
    %scan3A_45 = arith.constant 1 : i32
    scf.for %scan3A_51 = %scan3A_42 to %scan3A_44 step %scan3A_45  : i32 {
      %mul3A_52 = arith.constant 16 : i32
      %mul3A_53 = arith.muli %scan3A_51, %mul3A_52 : i32
      %get3A_54 = arith.constant 0 : i32
      %get3A_55 = arith.index_cast %get3A_54 : i32 to index
      %get3A_56 = arith.index_cast %mul3A_53 : i32 to index
      %get3A_57 = tpu.vector_load %arg6[%get3A_55, %get3A_56] {strides = array<i32>} : memref<8x1024xf32, #tpu.memory_space<vmem>>, vector<1x16xf32>,
      %get3A_58 = vector.shape_cast %get3A_57 : vector<1x16xf32> to vector<16xf32>
      %get3A_59 = arith.constant 1 : i32
      %get3A_60 = arith.index_cast %get3A_59 : i32 to index
      %get3A_61 = arith.index_cast %mul3A_53 : i32 to index
      %get3A_62 = tpu.vector_load %arg6[%get3A_60, %get3A_61] {strides = array<i32>} : memref<8x1024xf32, #tpu.memory_space<vmem>>, vector<1x16xf32>,
      %get3A_63 = vector.shape_cast %get3A_62 : vector<1x16xf32> to vector<16xf32>
      %get3A_64 = arith.constant 2 : i32
      %get3A_65 = arith.index_cast %get3A_64 : i32 to index
      %get3A_66 = arith.index_cast %mul3A_53 : i32 to index
      %get3A_67 = tpu.vector_load %arg6[%get3A_65, %get3A_66] {strides = array<i32>} : memref<8x1024xf32, #tpu.memory_space<vmem>>, vector<1x16xf32>,
      %get3A_68 = vector.shape_cast %get3A_67 : vector<1x16xf32> to vector<16xf32>
      %get3A_69 = arith.constant 3 : i32
      %get3A_70 = arith.index_cast %get3A_69 : i32 to index
      %get3A_71 = arith.index_cast %mul3A_53 : i32 to index
      %get3A_72 = tpu.vector_load %arg6[%get3A_70, %get3A_71] {strides = array<i32>} : memref<8x1024xf32, #tpu.memory_space<vmem>>, vector<1x16xf32>,
      %get3A_73 = vector.shape_cast %get3A_72 : vector<1x16xf32> to vector<16xf32>
      %get3A_74 = arith.constant 4 : i32
      %get3A_75 = arith.index_cast %get3A_74 : i32 to index
      %get3A_76 = arith.index_cast %mul3A_53 : i32 to index
      %get3A_77 = tpu.vector_load %arg6[%get3A_75, %get3A_76] {strides = array<i32>} : memref<8x1024xf32, #tpu.memory_space<vmem>>, vector<1x16xf32>,
      %get3A_78 = vector.shape_cast %get3A_77 : vector<1x16xf32> to vector<16xf32>
      %get3A_79 = arith.constant 5 : i32
      %get3A_80 = arith.index_cast %get3A_79 : i32 to index
      %get3A_81 = arith.index_cast %mul3A_53 : i32 to index
      %get3A_82 = tpu.vector_load %arg6[%get3A_80, %get3A_81] {strides = array<i32>} : memref<8x1024xf32, #tpu.memory_space<vmem>>, vector<1x16xf32>,
      %get3A_83 = vector.shape_cast %get3A_82 : vector<1x16xf32> to vector<16xf32>
      %get3A_84 = arith.constant 6 : i32
      %get3A_85 = arith.index_cast %get3A_84 : i32 to index
      %get3A_86 = arith.index_cast %mul3A_53 : i32 to index
      %get3A_87 = tpu.vector_load %arg6[%get3A_85, %get3A_86] {strides = array<i32>} : memref<8x1024xf32, #tpu.memory_space<vmem>>, vector<1x16xf32>,
      %get3A_88 = vector.shape_cast %get3A_87 : vector<1x16xf32> to vector<16xf32>
      %get3A_89 = arith.constant 7 : i32
      %get3A_90 = arith.index_cast %get3A_89 : i32 to index
      %get3A_91 = arith.index_cast %mul3A_53 : i32 to index
      %get3A_92 = tpu.vector_load %arg6[%get3A_90, %get3A_91] {strides = array<i32>} : memref<8x1024xf32, #tpu.memory_space<vmem>>, vector<1x16xf32>,
      %get3A_93 = vector.shape_cast %get3A_92 : vector<1x16xf32> to vector<16xf32>
      %add3A_94 = arith.addf %get3A_58, %get3A_6 : vector<16xf32>
      %add3A_95 = arith.addf %get3A_63, %get3A_11 : vector<16xf32>
      %add3A_96 = arith.addf %get3A_68, %get3A_16 : vector<16xf32>
      %add3A_97 = arith.addf %get3A_73, %get3A_21 : vector<16xf32>
      %add3A_98 = arith.addf %get3A_78, %get3A_26 : vector<16xf32>
      %add3A_99 = arith.addf %get3A_83, %get3A_31 : vector<16xf32>
      %add3A_100 = arith.addf %get3A_88, %get3A_36 : vector<16xf32>
      %add3A_101 = arith.addf %get3A_93, %get3A_41 : vector<16xf32>
      %broadcast_in_dim3A = arith.constant 0 : i32
      %broadcast_in_dim3A_102 = vector.broadcast %broadcast_in_dim3A : i32 to vector<16xi32>
      %broadcast_in_dim3A_103 = arith.constant 0xFF800000 : f32
      %broadcast_in_dim3A_104 = vector.broadcast %broadcast_in_dim3A_103 : f32 to vector<16xf32>
      %broadcast_in_dim3A_105 = arith.constant 0 : i32
      %broadcast_in_dim3A_106 = vector.broadcast %broadcast_in_dim3A_105 : i32 to vector<16xi32>
      %broadcast_in_dim3A_107 = arith.constant 1 : i32
      %broadcast_in_dim3A_108 = vector.broadcast %broadcast_in_dim3A_107 : i32 to vector<16xi32>
      %gt3A = arith.cmpf ogt, %add3A_95, %add3A_94 : vector<16xf32>
      %gt3A_109 = arith.cmpf ogt, %add3A_95, %broadcast_in_dim3A_104 : vector<16xf32>
      %select_n3A = arith.select %gt3A_109, %add3A_95, %broadcast_in_dim3A_104 : vector<16xi1>, vector<16xf32>
      %select_n3A_110 = arith.select %gt3A, %add3A_94, %select_n3A : vector<16xi1>, vector<16xf32>
      %select_n3A_111 = arith.select %gt3A_109, %broadcast_in_dim3A_108, %broadcast_in_dim3A_106 : vector<16xi1>, vector<16xi32>
      %select_n3A_112 = arith.select %gt3A, %broadcast_in_dim3A_102, %select_n3A_111 : vector<16xi1>, vector<16xi32>
      %select_n3A_113 = arith.select %gt3A, %add3A_95, %add3A_94 : vector<16xi1>, vector<16xf32>
      %select_n3A_114 = arith.select %gt3A, %broadcast_in_dim3A_108, %broadcast_in_dim3A_102 : vector<16xi1>, vector<16xi32>
      %broadcast_in_dim3A_115 = arith.constant 2 : i32
      %broadcast_in_dim3A_116 = vector.broadcast %broadcast_in_dim3A_115 : i32 to vector<16xi32>
      %gt3A_117 = arith.cmpf ogt, %add3A_96, %select_n3A_113 : vector<16xf32>
      %gt3A_118 = arith.cmpf ogt, %add3A_96, %select_n3A_110 : vector<16xf32>
      %select_n3A_119 = arith.select %gt3A_118, %add3A_96, %select_n3A_110 : vector<16xi1>, vector<16xf32>
      %select_n3A_120 = arith.select %gt3A_117, %select_n3A_113, %select_n3A_119 : vector<16xi1>, vector<16xf32>
      %select_n3A_121 = arith.select %gt3A_118, %broadcast_in_dim3A_116, %select_n3A_112 : vector<16xi1>, vector<16xi32>
      %select_n3A_122 = arith.select %gt3A_117, %select_n3A_114, %select_n3A_121 : vector<16xi1>, vector<16xi32>
      %select_n3A_123 = arith.select %gt3A_117, %add3A_96, %select_n3A_113 : vector<16xi1>, vector<16xf32>
      %select_n3A_124 = arith.select %gt3A_117, %broadcast_in_dim3A_116, %select_n3A_114 : vector<16xi1>, vector<16xi32>
      %broadcast_in_dim3A_125 = arith.constant 3 : i32
      %broadcast_in_dim3A_126 = vector.broadcast %broadcast_in_dim3A_125 : i32 to vector<16xi32>
      %gt3A_127 = arith.cmpf ogt, %add3A_97, %select_n3A_123 : vector<16xf32>
      %gt3A_128 = arith.cmpf ogt, %add3A_97, %select_n3A_120 : vector<16xf32>
      %select_n3A_129 = arith.select %gt3A_128, %add3A_97, %select_n3A_120 : vector<16xi1>, vector<16xf32>
      %select_n3A_130 = arith.select %gt3A_127, %select_n3A_123, %select_n3A_129 : vector<16xi1>, vector<16xf32>
      %select_n3A_131 = arith.select %gt3A_128, %broadcast_in_dim3A_126, %select_n3A_122 : vector<16xi1>, vector<16xi32>
      %select_n3A_132 = arith.select %gt3A_127, %select_n3A_124, %select_n3A_131 : vector<16xi1>, vector<16xi32>
      %select_n3A_133 = arith.select %gt3A_127, %add3A_97, %select_n3A_123 : vector<16xi1>, vector<16xf32>
      %select_n3A_134 = arith.select %gt3A_127, %broadcast_in_dim3A_126, %select_n3A_124 : vector<16xi1>, vector<16xi32>
      %broadcast_in_dim3A_135 = arith.constant 4 : i32
      %broadcast_in_dim3A_136 = vector.broadcast %broadcast_in_dim3A_135 : i32 to vector<16xi32>
      %gt3A_137 = arith.cmpf ogt, %add3A_98, %select_n3A_133 : vector<16xf32>
      %gt3A_138 = arith.cmpf ogt, %add3A_98, %select_n3A_130 : vector<16xf32>
      %select_n3A_139 = arith.select %gt3A_138, %add3A_98, %select_n3A_130 : vector<16xi1>, vector<16xf32>
      %select_n3A_140 = arith.select %gt3A_137, %select_n3A_133, %select_n3A_139 : vector<16xi1>, vector<16xf32>
      %select_n3A_141 = arith.select %gt3A_138, %broadcast_in_dim3A_136, %select_n3A_132 : vector<16xi1>, vector<16xi32>
      %select_n3A_142 = arith.select %gt3A_137, %select_n3A_134, %select_n3A_141 : vector<16xi1>, vector<16xi32>
      %select_n3A_143 = arith.select %gt3A_137, %add3A_98, %select_n3A_133 : vector<16xi1>, vector<16xf32>
      %select_n3A_144 = arith.select %gt3A_137, %broadcast_in_dim3A_136, %select_n3A_134 : vector<16xi1>, vector<16xi32>
      %broadcast_in_dim3A_145 = arith.constant 5 : i32
      %broadcast_in_dim3A_146 = vector.broadcast %broadcast_in_dim3A_145 : i32 to vector<16xi32>
      %gt3A_147 = arith.cmpf ogt, %add3A_99, %select_n3A_143 : vector<16xf32>
      %gt3A_148 = arith.cmpf ogt, %add3A_99, %select_n3A_140 : vector<16xf32>
      %select_n3A_149 = arith.select %gt3A_148, %add3A_99, %select_n3A_140 : vector<16xi1>, vector<16xf32>
      %select_n3A_150 = arith.select %gt3A_147, %select_n3A_143, %select_n3A_149 : vector<16xi1>, vector<16xf32>
      %select_n3A_151 = arith.select %gt3A_148, %broadcast_in_dim3A_146, %select_n3A_142 : vector<16xi1>, vector<16xi32>
      %select_n3A_152 = arith.select %gt3A_147, %select_n3A_144, %select_n3A_151 : vector<16xi1>, vector<16xi32>
      %select_n3A_153 = arith.select %gt3A_147, %add3A_99, %select_n3A_143 : vector<16xi1>, vector<16xf32>
      %select_n3A_154 = arith.select %gt3A_147, %broadcast_in_dim3A_146, %select_n3A_144 : vector<16xi1>, vector<16xi32>
      %broadcast_in_dim3A_155 = arith.constant 6 : i32
      %broadcast_in_dim3A_156 = vector.broadcast %broadcast_in_dim3A_155 : i32 to vector<16xi32>
      %gt3A_157 = arith.cmpf ogt, %add3A_100, %select_n3A_153 : vector<16xf32>
      %gt3A_158 = arith.cmpf ogt, %add3A_100, %select_n3A_150 : vector<16xf32>
      %select_n3A_159 = arith.select %gt3A_158, %add3A_100, %select_n3A_150 : vector<16xi1>, vector<16xf32>
      %select_n3A_160 = arith.select %gt3A_157, %select_n3A_153, %select_n3A_159 : vector<16xi1>, vector<16xf32>
      %select_n3A_161 = arith.select %gt3A_158, %broadcast_in_dim3A_156, %select_n3A_152 : vector<16xi1>, vector<16xi32>
      %select_n3A_162 = arith.select %gt3A_157, %select_n3A_154, %select_n3A_161 : vector<16xi1>, vector<16xi32>
      %select_n3A_163 = arith.select %gt3A_157, %add3A_100, %select_n3A_153 : vector<16xi1>, vector<16xf32>
      %select_n3A_164 = arith.select %gt3A_157, %broadcast_in_dim3A_156, %select_n3A_154 : vector<16xi1>, vector<16xi32>
      %broadcast_in_dim3A_165 = arith.constant 7 : i32
      %broadcast_in_dim3A_166 = vector.broadcast %broadcast_in_dim3A_165 : i32 to vector<16xi32>
      %gt3A_167 = arith.cmpf ogt, %add3A_101, %select_n3A_163 : vector<16xf32>
      %gt3A_168 = arith.cmpf ogt, %add3A_101, %select_n3A_160 : vector<16xf32>
      %select_n3A_169 = arith.select %gt3A_168, %add3A_101, %select_n3A_160 : vector<16xi1>, vector<16xf32>
      %select_n3A_170 = arith.select %gt3A_167, %select_n3A_163, %select_n3A_169 : vector<16xi1>, vector<16xf32>
      %select_n3A_171 = arith.select %gt3A_168, %broadcast_in_dim3A_166, %select_n3A_162 : vector<16xi1>, vector<16xi32>
      %select_n3A_172 = arith.select %gt3A_167, %select_n3A_164, %select_n3A_171 : vector<16xi1>, vector<16xi32>
      %select_n3A_173 = arith.select %gt3A_167, %add3A_101, %select_n3A_163 : vector<16xi1>, vector<16xf32>
      %select_n3A_174 = arith.select %gt3A_167, %broadcast_in_dim3A_166, %select_n3A_164 : vector<16xi1>, vector<16xi32>
      %broadcast_in_dim3A_175 = arith.constant 1 : i32
      %broadcast_in_dim3A_176 = vector.broadcast %broadcast_in_dim3A_175 : i32 to vector<16xi32>
      %eq3A = arith.cmpi eq, %select_n3A_174, %broadcast_in_dim3A_176 : vector<16xi32>
      %select_n3A_177 = arith.select %eq3A, %get3A_63, %get3A_58 : vector<16xi1>, vector<16xf32>
      %eq3A_178 = arith.cmpi eq, %select_n3A_172, %broadcast_in_dim3A_176 : vector<16xi32>
      %select_n3A_179 = arith.select %eq3A_178, %get3A_63, %get3A_58 : vector<16xi1>, vector<16xf32>
      %broadcast_in_dim3A_180 = arith.constant 2 : i32
      %broadcast_in_dim3A_181 = vector.broadcast %broadcast_in_dim3A_180 : i32 to vector<16xi32>
      %eq3A_182 = arith.cmpi eq, %select_n3A_174, %broadcast_in_dim3A_181 : vector<16xi32>
      %select_n3A_183 = arith.select %eq3A_182, %get3A_68, %select_n3A_177 : vector<16xi1>, vector<16xf32>
      %eq3A_184 = arith.cmpi eq, %select_n3A_172, %broadcast_in_dim3A_181 : vector<16xi32>
      %select_n3A_185 = arith.select %eq3A_184, %get3A_68, %select_n3A_179 : vector<16xi1>, vector<16xf32>
      %broadcast_in_dim3A_186 = arith.constant 3 : i32
      %broadcast_in_dim3A_187 = vector.broadcast %broadcast_in_dim3A_186 : i32 to vector<16xi32>
      %eq3A_188 = arith.cmpi eq, %select_n3A_174, %broadcast_in_dim3A_187 : vector<16xi32>
      %select_n3A_189 = arith.select %eq3A_188, %get3A_73, %select_n3A_183 : vector<16xi1>, vector<16xf32>
      %eq3A_190 = arith.cmpi eq, %select_n3A_172, %broadcast_in_dim3A_187 : vector<16xi32>
      %select_n3A_191 = arith.select %eq3A_190, %get3A_73, %select_n3A_185 : vector<16xi1>, vector<16xf32>
      %broadcast_in_dim3A_192 = arith.constant 4 : i32
      %broadcast_in_dim3A_193 = vector.broadcast %broadcast_in_dim3A_192 : i32 to vector<16xi32>
      %eq3A_194 = arith.cmpi eq, %select_n3A_174, %broadcast_in_dim3A_193 : vector<16xi32>
      %select_n3A_195 = arith.select %eq3A_194, %get3A_78, %select_n3A_189 : vector<16xi1>, vector<16xf32>
      %eq3A_196 = arith.cmpi eq, %select_n3A_172, %broadcast_in_dim3A_193 : vector<16xi32>
      %select_n3A_197 = arith.select %eq3A_196, %get3A_78, %select_n3A_191 : vector<16xi1>, vector<16xf32>
      %broadcast_in_dim3A_198 = arith.constant 5 : i32
      %broadcast_in_dim3A_199 = vector.broadcast %broadcast_in_dim3A_198 : i32 to vector<16xi32>
      %eq3A_200 = arith.cmpi eq, %select_n3A_174, %broadcast_in_dim3A_199 : vector<16xi32>
      %select_n3A_201 = arith.select %eq3A_200, %get3A_83, %select_n3A_195 : vector<16xi1>, vector<16xf32>
      %eq3A_202 = arith.cmpi eq, %select_n3A_172, %broadcast_in_dim3A_199 : vector<16xi32>
      %select_n3A_203 = arith.select %eq3A_202, %get3A_83, %select_n3A_197 : vector<16xi1>, vector<16xf32>
      %broadcast_in_dim3A_204 = arith.constant 6 : i32
      %broadcast_in_dim3A_205 = vector.broadcast %broadcast_in_dim3A_204 : i32 to vector<16xi32>
      %eq3A_206 = arith.cmpi eq, %select_n3A_174, %broadcast_in_dim3A_205 : vector<16xi32>
      %select_n3A_207 = arith.select %eq3A_206, %get3A_88, %select_n3A_201 : vector<16xi1>, vector<16xf32>
      %eq3A_208 = arith.cmpi eq, %select_n3A_172, %broadcast_in_dim3A_205 : vector<16xi32>
      %select_n3A_209 = arith.select %eq3A_208, %get3A_88, %select_n3A_203 : vector<16xi1>, vector<16xf32>
      %broadcast_in_dim3A_210 = arith.constant 7 : i32
      %broadcast_in_dim3A_211 = vector.broadcast %broadcast_in_dim3A_210 : i32 to vector<16xi32>
      %eq3A_212 = arith.cmpi eq, %select_n3A_174, %broadcast_in_dim3A_211 : vector<16xi32>
      %select_n3A_213 = arith.select %eq3A_212, %get3A_93, %select_n3A_207 : vector<16xi1>, vector<16xf32>
      %eq3A_214 = arith.cmpi eq, %select_n3A_172, %broadcast_in_dim3A_211 : vector<16xi32>
      %select_n3A_215 = arith.select %eq3A_214, %get3A_93, %select_n3A_209 : vector<16xi1>, vector<16xf32>
      %add3A_216 = arith.addf %select_n3A_213, %select_n3A_215 : vector<16xf32>
      %div3A = arith.divf %select_n3A_213, %add3A_216 : vector<16xf32>
      %swap3A = arith.index_cast %mul3A_53 : i32 to index
      %swap3A_217 = tpu.vector_load %arg8[%swap3A] {strides = array<i32>} : memref<1024xf32, #tpu.memory_space<vmem>>, vector<16xf32>,
      %swap3A_218 = vector.shape_cast %swap3A_217 : vector<16xf32> to vector<16xf32>
      %swap3A_219 = vector.shape_cast %div3A : vector<16xf32> to vector<16xf32>
      tpu.vector_store %arg8[%swap3A], %swap3A_219 {strides = array<i32>} : memref<1024xf32, #tpu.memory_space<vmem>>, vector<16xf32>,
      %div3A_220 = arith.divf %select_n3A_215, %add3A_216 : vector<16xf32>
      %swap3A_221 = arith.index_cast %mul3A_53 : i32 to index
      %swap3A_222 = tpu.vector_load %arg9[%swap3A_221] {strides = array<i32>} : memref<1024xf32, #tpu.memory_space<vmem>>, vector<16xf32>,
      %swap3A_223 = vector.shape_cast %swap3A_222 : vector<16xf32> to vector<16xf32>
      %swap3A_224 = vector.shape_cast %div3A_220 : vector<16xf32> to vector<16xf32>
      tpu.vector_store %arg9[%swap3A_221], %swap3A_224 {strides = array<i32>} : memref<1024xf32, #tpu.memory_space<vmem>>, vector<16xf32>,
      %swap3A_225 = arith.index_cast %mul3A_53 : i32 to index
      %swap3A_226 = tpu.vector_load %arg10[%swap3A_225] {strides = array<i32>} : memref<1024xi32, #tpu.memory_space<vmem>>, vector<16xi32>,
      %swap3A_227 = vector.shape_cast %swap3A_226 : vector<16xi32> to vector<16xi32>
      %swap3A_228 = vector.shape_cast %select_n3A_174 : vector<16xi32> to vector<16xi32>
      tpu.vector_store %arg10[%swap3A_225], %swap3A_228 {strides = array<i32>} : memref<1024xi32, #tpu.memory_space<vmem>>, vector<16xi32>,
      %swap3A_229 = arith.index_cast %mul3A_53 : i32 to index
      %swap3A_230 = tpu.vector_load %arg11[%swap3A_229] {strides = array<i32>} : memref<1024xi32, #tpu.memory_space<vmem>>, vector<16xi32>,
      %swap3A_231 = vector.shape_cast %swap3A_230 : vector<16xi32> to vector<16xi32>
      %swap3A_232 = vector.shape_cast %select_n3A_172 : vector<16xi32> to vector<16xi32>
      tpu.vector_store %arg11[%swap3A_229], %swap3A_232 {strides = array<i32>} : memref<1024xi32, #tpu.memory_space<vmem>>, vector<16xi32>,
    }
    %scan3A_46 = arith.constant 64 : i32
    "tpu.region"() ({
      %run_scoped3A = tpu.sem_alloc : memref<!tpu.dma_semaphore, #tpu.memory_space<semaphore_mem>>
      %dma_start3A = tpu.memref_slice %arg4[%mul3A_2] : memref<65536xf32, #tpu.memory_space<hbm>> -> memref<1024xf32, #tpu.memory_space<hbm>>
      %dma_start3A_51 = tpu.memref_slice %arg4[%mul3A_2] : memref<65536xf32, #tpu.memory_space<hbm>> -> memref<1024xf32, #tpu.memory_space<hbm>>
      tpu.enqueue_dma source(%arg8 : memref<1024xf32, #tpu.memory_space<vmem>>) target(%dma_start3A_51 : memref<1024xf32, #tpu.memory_space<hbm>>) target_semaphore(%run_scoped3A : memref<!tpu.dma_semaphore, #tpu.memory_space<semaphore_mem>>)
      %dma_wait3A = tpu.memref_slice %arg4[%mul3A_2] : memref<65536xf32, #tpu.memory_space<hbm>> -> memref<1024xf32, #tpu.memory_space<hbm>>
      %dma_wait3A_52 = tpu.memref_slice %arg4[%mul3A_2] : memref<65536xf32, #tpu.memory_space<hbm>> -> memref<1024xf32, #tpu.memory_space<hbm>>
      tpu.wait_dma2 semaphore(%run_scoped3A : memref<!tpu.dma_semaphore, #tpu.memory_space<semaphore_mem>>) src(%arg8 : memref<1024xf32, #tpu.memory_space<vmem>>) dst(%dma_wait3A_52 : memref<1024xf32, #tpu.memory_space<hbm>>)
      tpu.yield
    }) : () -> ()
    %add3A_47 = arith.constant 32768 : i32
    %add3A_48 = arith.addi %add3A_47, %mul3A_2 : i32
    "tpu.region"() ({
      %run_scoped3A = tpu.sem_alloc : memref<!tpu.dma_semaphore, #tpu.memory_space<semaphore_mem>>
      %dma_start3A = tpu.memref_slice %arg4[%add3A_48] : memref<65536xf32, #tpu.memory_space<hbm>> -> memref<1024xf32, #tpu.memory_space<hbm>>
      %dma_start3A_51 = tpu.memref_slice %arg4[%add3A_48] : memref<65536xf32, #tpu.memory_space<hbm>> -> memref<1024xf32, #tpu.memory_space<hbm>>
      tpu.enqueue_dma source(%arg9 : memref<1024xf32, #tpu.memory_space<vmem>>) target(%dma_start3A_51 : memref<1024xf32, #tpu.memory_space<hbm>>) target_semaphore(%run_scoped3A : memref<!tpu.dma_semaphore, #tpu.memory_space<semaphore_mem>>)
      %dma_wait3A = tpu.memref_slice %arg4[%add3A_48] : memref<65536xf32, #tpu.memory_space<hbm>> -> memref<1024xf32, #tpu.memory_space<hbm>>
      %dma_wait3A_52 = tpu.memref_slice %arg4[%add3A_48] : memref<65536xf32, #tpu.memory_space<hbm>> -> memref<1024xf32, #tpu.memory_space<hbm>>
      tpu.wait_dma2 semaphore(%run_scoped3A : memref<!tpu.dma_semaphore, #tpu.memory_space<semaphore_mem>>) src(%arg9 : memref<1024xf32, #tpu.memory_space<vmem>>) dst(%dma_wait3A_52 : memref<1024xf32, #tpu.memory_space<hbm>>)
      tpu.yield
    }) : () -> ()
    "tpu.region"() ({
      %run_scoped3A = tpu.sem_alloc : memref<!tpu.dma_semaphore, #tpu.memory_space<semaphore_mem>>
      %dma_start3A = tpu.memref_slice %arg5[%mul3A_2] : memref<65536xi32, #tpu.memory_space<hbm>> -> memref<1024xi32, #tpu.memory_space<hbm>>
      %dma_start3A_51 = tpu.memref_slice %arg5[%mul3A_2] : memref<65536xi32, #tpu.memory_space<hbm>> -> memref<1024xi32, #tpu.memory_space<hbm>>
      tpu.enqueue_dma source(%arg10 : memref<1024xi32, #tpu.memory_space<vmem>>) target(%dma_start3A_51 : memref<1024xi32, #tpu.memory_space<hbm>>) target_semaphore(%run_scoped3A : memref<!tpu.dma_semaphore, #tpu.memory_space<semaphore_mem>>)
      %dma_wait3A = tpu.memref_slice %arg5[%mul3A_2] : memref<65536xi32, #tpu.memory_space<hbm>> -> memref<1024xi32, #tpu.memory_space<hbm>>
      %dma_wait3A_52 = tpu.memref_slice %arg5[%mul3A_2] : memref<65536xi32, #tpu.memory_space<hbm>> -> memref<1024xi32, #tpu.memory_space<hbm>>
      tpu.wait_dma2 semaphore(%run_scoped3A : memref<!tpu.dma_semaphore, #tpu.memory_space<semaphore_mem>>) src(%arg10 : memref<1024xi32, #tpu.memory_space<vmem>>) dst(%dma_wait3A_52 : memref<1024xi32, #tpu.memory_space<hbm>>)
      tpu.yield
    }) : () -> ()
    %add3A_49 = arith.constant 32768 : i32
    %add3A_50 = arith.addi %add3A_49, %mul3A_2 : i32
    "tpu.region"() ({
      %run_scoped3A = tpu.sem_alloc : memref<!tpu.dma_semaphore, #tpu.memory_space<semaphore_mem>>
      %dma_start3A = tpu.memref_slice %arg5[%add3A_50] : memref<65536xi32, #tpu.memory_space<hbm>> -> memref<1024xi32, #tpu.memory_space<hbm>>
      %dma_start3A_51 = tpu.memref_slice %arg5[%add3A_50] : memref<65536xi32, #tpu.memory_space<hbm>> -> memref<1024xi32, #tpu.memory_space<hbm>>
      tpu.enqueue_dma source(%arg11 : memref<1024xi32, #tpu.memory_space<vmem>>) target(%dma_start3A_51 : memref<1024xi32, #tpu.memory_space<hbm>>) target_semaphore(%run_scoped3A : memref<!tpu.dma_semaphore, #tpu.memory_space<semaphore_mem>>)
      %dma_wait3A = tpu.memref_slice %arg5[%add3A_50] : memref<65536xi32, #tpu.memory_space<hbm>> -> memref<1024xi32, #tpu.memory_space<hbm>>
      %dma_wait3A_52 = tpu.memref_slice %arg5[%add3A_50] : memref<65536xi32, #tpu.memory_space<hbm>> -> memref<1024xi32, #tpu.memory_space<hbm>>
      tpu.wait_dma2 semaphore(%run_scoped3A : memref<!tpu.dma_semaphore, #tpu.memory_space<semaphore_mem>>) src(%arg11 : memref<1024xi32, #tpu.memory_space<vmem>>) dst(%dma_wait3A_52 : memref<1024xi32, #tpu.memory_space<hbm>>)
      tpu.yield
    }) : () -> ()
    return
  }
}

module attributes {stable_mosaic.version = 14 : i64} {
  func.func @_logits_kernel(%arg0: i32, %arg1: memref<8x768xf32, #tpu.memory_space<vmem>>, %arg2: memref<4096x768xf32, #tpu.memory_space<vmem>>, %arg3: memref<8x4096xf32, #tpu.memory_space<vmem>>) attributes {dimension_semantics = [#tpu.dimension_semantics<arbitrary>], iteration_bounds = array<i64: 8>, scalar_prefetch = 0 : i64, scratch_operands = 0 : i64, tpu.core_type = #tpu.core_type<tc>, window_params = [{pipeline_mode = #tpu.pipeline_mode<synchronous>, transform_indices = @transform_0, window_bounds = array<i64: 8, 768>}, {transform_indices = @transform_1, window_bounds = array<i64: 4096, 768>}, {transform_indices = @transform_2, window_bounds = array<i64: 8, 4096>}]} {
    %get3A = arith.constant 0 : index
    %get3A_0 = arith.constant 0 : index
    %get3A_1 = vector.load %arg1[%get3A, %get3A_0] : memref<8x768xf32, #tpu.memory_space<vmem>>, vector<8x768xf32>
    %get3A_2 = arith.constant 0 : index
    %get3A_3 = arith.constant 0 : index
    %get3A_4 = vector.load %arg2[%get3A_2, %get3A_3] : memref<4096x768xf32, #tpu.memory_space<vmem>>, vector<4096x768xf32>
    %dot_general3A = arith.constant dense<0.000000e+00> : vector<8x4096xf32>
    %dot_general3A_5 = tpu.matmul %get3A_1, %get3A_4, %dot_general3A {dimension_numbers = #tpu.dot_dimension_numbers<[1], [1], [0], [0], [0, 0, 1, 0], [], []>, transpose_lhs_hint = false} : vector<8x768xf32>, vector<4096x768xf32>, vector<8x4096xf32> -> vector<8x4096xf32>
    %logistic3A = arith.negf %dot_general3A_5 : vector<8x4096xf32>
    %logistic3A_6 = math.exp %logistic3A : vector<8x4096xf32>
    %logistic3A_7 = arith.constant 1.000000e+00 : f32
    %logistic3A_8 = vector.broadcast %logistic3A_7 : f32 to vector<8x4096xf32>
    %logistic3A_9 = arith.addf %logistic3A_8, %logistic3A_6 : vector<8x4096xf32>
    %logistic3A_10 = arith.divf %logistic3A_8, %logistic3A_9 : vector<8x4096xf32>
    %swap3A = arith.constant 0 : index
    %swap3A_11 = arith.constant 0 : index
    %swap3A_12 = vector.load %arg3[%swap3A, %swap3A_11] : memref<8x4096xf32, #tpu.memory_space<vmem>>, vector<8x4096xf32>
    tpu.vector_store %arg3[%swap3A, %swap3A_11], %logistic3A_10 {strides = array<i32>} : memref<8x4096xf32, #tpu.memory_space<vmem>>, vector<8x4096xf32>,
    return
  }
  func.func @transform_0(%arg0: i32) -> (i32, i32) {
    %c0_i32 = arith.constant 0 : i32
    %c0_i32_0 = arith.constant 0 : i32
    %c0_i32_1 = arith.constant 0 : i32
    return %c0_i32, %c0_i32_0 : i32, i32
  }
  func.func @transform_1(%arg0: i32) -> (i32, i32) {
    %c0_i32 = arith.constant 0 : i32
    %c0_i32_0 = arith.constant 0 : i32
    return %arg0, %c0_i32 : i32, i32
  }
  func.func @transform_2(%arg0: i32) -> (i32, i32) {
    %c0_i32 = arith.constant 0 : i32
    %c0_i32_0 = arith.constant 0 : i32
    return %c0_i32, %arg0 : i32, i32
  }
}

</mosaic_0001>

<sc_bundles>
// kernel: kernel.4.cloned.1.call-start
scs
__scs_entry_jumppad:
0x0: {  	(pc) =	sbr.rel $0x88, $3  }
0x1: {  	(tag) =	ssettag $0x0;
	lr =	simm.s32 $0x1  }
0x2: {  	[smem:$0x3F9E] =	sst lr;
	_ =	strace $0xD0000000  }
0x3: {  	_ = 	snop  }
0x4: {  	_ = 	snop  }
0x5: {  	_ = 	snop  }
0x6: {  	_ = 	snop  }
0x7: {  	_ = 	snop  }
__scs_overlays_trampoline_lowered:
0x8: {  	[smem:$0x3FAD] =	sst s0  }
0x9: {  	[smem:$0x3FAE] =	sst s1  }
0xa: {  	[smem:$0x3FAF] =	sst s2  }
0xb: {  	[smem:$0x3FB0] =	sst s3  }
0xc: {  	[smem:$0x3FB1] =	sst s4  }
0xd: {  	[smem:$0x3FB2] =	sst s5  }
0xe: {  	[smem:$0x3FB3] =	sst s6  }
0xf: {  	[smem:$0x3FB4] =	sst s7  }
0x10: {  	[smem:$0x3FB5] =	sst s8  }
0x11: {  	[smem:$0x3FB6] =	sst s9;
	s0 =	simm.s32 @!p0 $0x0  }
0x12: {  	s1 =	sld [smem:$0x3F9C];
	s0 =	simm.s32 @p0 $0x1  }
0x13: {  	[smem:$0x3FB7] =	sst s0;
	s0 =	simm.s32 @!p1 $0x0  }
0x14: {  	s2 =	sld [smem:$0x3F9B];
	s0 =	simm.s32 @p1 $0x1  }
0x15: {  	[smem:$0x3FB8] =	sst s0;
	s0 =	simm.s32 @!p2 $0x0  }
0x16: {  	s3 =	sld [smem:$0x3FDB];
	s0 =	simm.s32 @p2 $0x1  }
0x17: {  	s4 =	simm.s32 $0x1BF5;
	[smem:$0x3FBA] =	sst s0  }
0x18: {  	s0 =	sld [smem:$0x3F9D];
	_ =	swait.ge [sflag:s4], $0x0  }
0x19: {  	s7 =	sld [smem:$0x3F9E]  }
0x1a: {  	s8 =	sadd.s32 $0xFFFFE003, lr  }
0x1b: {  	s9 =	sadd.s32 $0xFFFFFEF7, lr;
	s5 =	simm.s32 $0xFFFFFFFF;
	p2 =	slt.u32 s8, $0xFFFFF086  }
0x1c: {  	p1 =	slt.u32 s9, $0xF7A;
	s5 =	simm.s32 @!p2 $0x0  }
0x1d: {  	s5 =	simm.s32 @p1 $0x1;
	p0 =	seq.s32 s7, s2  }
0x1e: {  	s7 =	smul.u32 @!p0 $0xF7A, s2;
	p2 =	seq.s32 @!p0 s5, $0x0  }
0x1f: {  	s9 =	smul.u32 $0xF7A, s1;
	s8 =	simm.s32 @!p0 $0x1BF5;
	p2 =	por !p2, p0  }
0x20: {  	[sflag:s8] =	ssyncset.s32 @!p0 $0xFFFFF086;
	s6 =	sadd.s32 @!p0 s3, s7;
	s7 =	simm.s32 @!p0 $0x108  }
0x21: {  	s3 =	sadd.s32 s3, s9;
	s6 =	sadd.s32 @!p0 $0x88, s6;
	s7 =	simm.s32 @p2 $0x1082  }
0x22: {  	[simem:s7], [sflag:s8] =	dma.local @!p0 [hbm:s6], $0xF7A  }
0x23: {  	s9 =	sor.u32 $0xD0000000, s2;
	s6 =	simm.s32 $0x108;
	_ =	swait.ge @!p0 [sflag:s8], $0x0  }
0x24: {  	s3 =	sadd.s32 $0x88, s3;
	s6 =	simm.s32 @!p1 $0x1082;
	[sflag:s4] =	ssyncset.s32 $0xFFFFF086  }
0x25: {  	[simem:s6], [sflag:s4] =	dma.local [hbm:s3], $0xF7A  }
0x26: {  	[smem:$0x3F9E] =	sst s1;
	(tag) =	ssettag s2;
	_ =	strace s9  }
0x27: {  	s1 =	sld [smem:$0x3FAE]  }
0x28: {  	s2 =	sld [smem:$0x3FAF]  }
0x29: {  	s4 =	sld [smem:$0x3FB1]  }
0x2a: {  	p0 =	seq.s32 s5, $0x0;
	s5 =	sld [smem:$0x3FB2]  }
0x2b: {  	s6 =	sld [smem:$0x3FB3]  }
0x2c: {  	s7 =	sld [smem:$0x3FB4]  }
0x2d: {  	s3 =	simm.s32 $0x108;
	s8 =	sld [smem:$0x3FB5]  }
0x2e: {  	s3 =	simm.s32 @!p0 $0x1082;
	s9 =	sld [smem:$0x3FB6]  }
0x2f: {  	lr =	sadd.s32 s0, s3;
	s0 =	sld [smem:$0x3FAD]  }
0x30: {  	s3 =	sld [smem:$0x3FB0]  }
0x31: {  	[smem:$0x3FB9] =	sst s10  }
0x32: {  	s10 =	sld [smem:$0x3FB7];
	_ =	sdelay $0x3  }
0x33: {  	p0 =	seq.s32 s10, $0x1;
	s10 =	sld [smem:$0x3FB9];
	_ =	sdelay $0x3  }
0x34: {  	[smem:$0x3FB9] =	sst s10  }
0x35: {  	s10 =	sld [smem:$0x3FB8];
	_ =	sdelay $0x3  }
0x36: {  	p1 =	seq.s32 s10, $0x1;
	s10 =	sld [smem:$0x3FB9];
	_ =	sdelay $0x3  }
0x37: {  	[smem:$0x3FB9] =	sst s10  }
0x38: {  	s10 =	sld [smem:$0x3FBA]  }
0x39: {  	_ = 	snop;
	(pc) =	sbr.ind lr, $3  }
0x3a: {  	_ = 	snop  }
0x3b: {  	_ = 	snop  }
0x3c: {  	p2 =	seq.s32 s10, $0x1;
	s10 =	sld [smem:$0x3FB9]  }
0x3d: {  	_ =	shalt  }
0x3e: {  	_ =	shalt  }
0x3f: {  	_ =	shalt  }
0x40: {  	_ =	shalt  }
0x41: {  	_ =	shalt  }
0x42: {  	_ =	shalt  }
0x43: {  	_ =	shalt  }
0x44: {  	_ =	shalt  }
0x45: {  	_ =	shalt  }
0x46: {  	_ =	shalt  }
0x47: {  	_ =	shalt  }
0x48: {  	_ =	shalt  }
0x49: {  	_ =	shalt  }
0x4a: {  	_ =	shalt  }
0x4b: {  	_ =	shalt  }
0x4c: {  	_ =	shalt  }
0x4d: {  	_ =	shalt  }
0x4e: {  	_ =	shalt  }
0x4f: {  	_ =	shalt  }
0x50: {  	_ =	shalt  }
0x51: {  	_ =	shalt  }
0x52: {  	_ =	shalt  }
0x53: {  	_ =	shalt  }
0x54: {  	_ =	shalt  }
0x55: {  	_ =	shalt  }
0x56: {  	_ =	shalt  }
0x57: {  	_ =	shalt  }
0x58: {  	_ =	shalt  }
0x59: {  	_ =	shalt  }
0x5a: {  	_ =	shalt  }
0x5b: {  	_ =	shalt  }
0x5c: {  	_ =	shalt  }
0x5d: {  	_ =	shalt  }
0x5e: {  	_ =	shalt  }
0x5f: {  	_ =	shalt  }
0x60: {  	_ =	shalt  }
0x61: {  	_ =	shalt  }
0x62: {  	_ =	shalt  }
0x63: {  	_ =	shalt  }
0x64: {  	_ =	shalt  }
0x65: {  	_ =	shalt  }
0x66: {  	_ =	shalt  }
0x67: {  	_ =	shalt  }
0x68: {  	_ =	shalt  }
0x69: {  	_ =	shalt  }
0x6a: {  	_ =	shalt  }
0x6b: {  	_ =	shalt  }
0x6c: {  	_ =	shalt  }
0x6d: {  	_ =	shalt  }
0x6e: {  	_ =	shalt  }
0x6f: {  	_ =	shalt  }
0x70: {  	_ =	shalt  }
0x71: {  	_ =	shalt  }
0x72: {  	_ =	shalt  }
0x73: {  	_ =	shalt  }
0x74: {  	_ =	shalt  }
0x75: {  	_ =	shalt  }
0x76: {  	_ =	shalt  }
0x77: {  	_ =	shalt  }
0x78: {  	_ =	shalt  }
0x79: {  	_ =	shalt  }
0x7a: {  	_ =	shalt  }
0x7b: {  	_ =	shalt  }
0x7c: {  	_ =	shalt  }
0x7d: {  	_ =	shalt  }
0x7e: {  	_ =	shalt  }
0x7f: {  	_ =	shalt  }
0x80: {  	_ =	shalt  }
0x81: {  	_ =	shalt  }
0x82: {  	_ =	shalt  }
0x83: {  	_ =	shalt  }
0x84: {  	_ =	shalt  }
0x85: {  	_ =	shalt  }
0x86: {  	_ =	shalt  }
0x87: {  	_ =	shalt  }
.Lfunc_end0:
.L_simem_size_0:
called_computation_lowered:
.L_overlay_start_0:
0x88: {  	s2 =	sld [smem:$0x3FD9]  }
0x89: {  	s3 =	sld [smem:$0x3FFE];
	_ =	sdelay $0x1  }
0x8a: {  	s1 =	srdreg.scid  }
0x8b: {  	s0 =	sand.u32 $0x1, s1  }
0x8c: {  	s14 =	sshll.u32 s0, $0xA;
	s2 =	sadd.s32 s3, s2  }
0x8d: {  	s2 =	sadd.s32 s2, s14  }
0x8e: {  	[smem:$0x3FC5] =	sst s2  }
0x8f: {  	_ = 	snop  }
0x90: {  	s2 =	sld [smem:$0x3FD0];
	_ =	sdelay $0x2  }
0x91: {  	s15 =	simm.s32 $0xA;
	s4 =	simm.s32 $0x10  }
0x92: {  	[smem:s4], [sflag:s15] =	dma.local [hbm:s2], $0x1  }
0x93: {  	_ =	swait.eq [sflag:s15], $0x1  }
0x94: {  	s16 =	sld [smem:$0x10];
	[sflag:s15] =	ssyncset.done $0x0  }
0x95: {  	s17 =	sld [smem:$0x11];
	[sflag:s15] =	ssyncadd.s32 $0xFFFFFFFF  }
0x96: {  	s18 =	sld [smem:$0x12];
	(tm) =	ssettm $0x1  }
0x97: {  	s5 =	sld [smem:$0x3FFB];
	_ =	sdelay $0x3  }
0x98: {  	_ =	strace s5  }
0x99: {  	s5 =	sld [smem:$0x3FFC];
	_ =	sdelay $0x3  }
0x9a: {  	_ =	strace s5  }
0x9b: {  	s5 =	sld [smem:$0x3FFD];
	_ =	sdelay $0x3  }
0x9c: {  	_ =	strace s5  }
0x9d: {  	_ =	strace $0x8FFFFFFF  }
0x9e: {  	s19 =	sld [smem:$0x3FDB];
	_ =	sdelay $0x1  }
0x9f: {  	s6 =	simm.s32 $_scs_section_size  }
0xa0: {  	s7 =	simm.s32 $_size__tile_overlayer_lowered;
	s8 =	simm.s32 $_tile_overlayer_lowered  }
0xa1: {  	s22 =	simm.s32 $0x1BFF;
	s21 =	sshll.u32 s8, $0x1;
	s5 =	sadd.s32 s6, s19  }
0xa2: {  	s9 =	simm.s32 $0x0;
	s20 =	sshll.u32 s7, $0x1;
	s7 =	sadd.s32 s21, s5  }
0xa3: {  	[timem:s9], [sflag:s22] =	dma.local [hbm:s7], s20  }
0xa4: {  	_ =	swait.ge [sflag:s22], s20  }
0xa5: {  	s6 =	ssub.s32 $0x0, s20;
	[sflag:s22] =	ssyncset.done $0x0  }
0xa6: {  	[sflag:s22] =	ssyncadd.s32 s6;
	_ =	sdelay $0x1  }
0xa7: {  	s23 =	simm.s32 $0x1B8B  }
0xa8: {  	_ =	swait.ge [sflag:s23], $0x1  }
0xa9: {  	[sflag:s23] =	ssyncset.done $0x0  }
0xaa: {  	s25 =	simm.s32 $0x1B8E;
	s24 =	sld [smem:$0x3FFE];
	[sflag:s23] =	ssyncadd.s32 $0xFFFFFFFF  }
0xab: {  	s26 =	simm.s32 $execute0_lowered;
	[smem:$0x3FD2] =	sst s25  }
0xac: {  	s7 =	sshll.u32 s26, $0x1;
	_ =	strace $0x80000046;
	[dreg:$0x1] =	wrdreg $0xFFFFFFFF  }
0xad: {  	s28 =	simm.s32 $_size_execute0_lowered;
	s5 =	sadd.s32 s5, s7;
	[dreg:$0x0] =	wrdreg $0x0  }
0xae: {  	s7 =	sshll.u32 s28, $0x1;
	[dreg:$0x2] =	wrdreg s5  }
0xaf: {  	[dreg:$0x3] =	wrdreg s7  }
0xb0: {  	[dreg:$0x4] =	wrdreg $0xC0  }
0xb1: {  	_ =	task [dreg:s9], $0x5FFFF  }
0xb2: {  	[dreg:$0x1] =	wrdreg $0xFFFFFFFF  }
0xb3: {  	[dreg:$0x0] =	wrdreg $0x60  }
0xb4: {  	[dreg:$0x2] =	wrdreg s18  }
0xb5: {  	[dreg:$0x3] =	wrdreg s16  }
0xb6: {  	[dreg:$0x4] =	wrdreg s17  }
0xb7: {  	[dreg:$0x5] =	wrdreg s24  }
0xb8: {  	[dreg:$0x6] =	wrdreg $0x9  }
0xb9: {  	_ =	task.clear_ibuf [dreg:s9], $0x7FFFF;
	_ =	strace $0x90000046  }
0xba: {  	s29 =	simm.s32 $0x9;
	_ =	strace $0x80000048  }
0xbb: {  	_ =	swait.ge [sflag:s29], $0x1  }
0xbc: {  	[sflag:s29] =	ssyncadd.s32 $0xFFFFFFFF  }
0xbd: {  	_ =	strace $0x90000048  }
0xbe: {  	_ =	sfence  }
0xbf: {  	s30 =	sld [smem:$0x0];
	_ =	sdelay $0x2  }
0xc0: {  	s31 =	sshll.u32 s1, $0xD;
	s1 =	sshrl.u32 s1, $0x2  }
0xc1: {  	s3 =	sand.u32 $0x4000, s31;
	s1 =	sadd.s32 s1, s30  }
0xc2: {  	s0 =	sor.u32 s3, s0;
	s1 =	sshll.u32 s1, $0x11  }
0xc3: {  	s0 =	sor.u32 s1, s0  }
0xc4: {  	s0 =	sadd.s32 $0x8F2B, s0  }
0xc5: {  	[sflag:s0] =	ssyncadd.remote.s32 $0x1  }
0xc6: {  	_ =	sfence.sel $0xFFFF  }
0xc7: {  	[dreg:$0x0] =	wrdreg $0xFFFFFFFF;
	(pc) =	sbr.abs _section_cstart, $3  }
0xc8: {  	[dreg:$0x1] =	wrdreg $0xFFFFFFFF  }
0xc9: {  	_ =	task.clear_ibuf [dreg:s9], $0x2FFFF;
	_ =	strace $0x9FFFFFFF  }
0xca: {  	(tm) =	ssettm $0x7FFFFFFF  }
0xcb: {  	_ =	shalt  }
tec
execute0_lowered:
.L_overlay_start_1:
0x0: {  	(tag) =	ssettag $0x1  }
0x1: {  	s4 =	rddreg [dreg:$0x0]  }
0x2: {  	s1 =	rddreg [dreg:$0x1]  }
0x3: {  	s6 =	rddreg [dreg:$0x2]  }
0x4: {  	s5 =	rddreg [dreg:$0x3]  }
0x5: {  	s0 =	rddreg [dreg:$0x4];
	s7 =	srdreg.scid  }
0x6: {  	s3 =	simm.s32 $0x0;
	s2 =	stileid.u32;
	s12 =	simm.s32 $0x2400  }
0x7: {  	s13 =	simm.s32 $0x2800;
	s14 =	simm.s32 $0x2C00;
	s15 =	simm.s32 $0x3000  }
0x8: {  	s16 =	simm.s32 $0x0;
	s7 =	sand.u32 $0x1, s7;
	[smem:$0x7FF] =	sst s3  }
0x9: {  	s8 =	sshll.u32 s2, $0xB;
	s9 =	sshll.u32 s7, $0xA;
	s7 =	ssub.s32 $0x2, s7  }
0xa: {  	s29 =	sadd.s32 $0xC00, s5;
	s8 =	sor.u32 s9, s8;
	s30 =	sshrl.u32 s7, $0x1  }
0xb: {  	_ =	strace $0x80000047;
	s10 =	sshrl.u32 s8, $0x3;
	s11 =	ssub.s32 s7, s30  }
0xc: {  	s4 =	sadd.s32 s4, s8;
	s31 =	sor.u32 $0x1000, s10;
	s5 =	sadd.s32 s6, s10  }
0xd: {  	s7 =	sadd.s32 s29, s10;
	s9 =	smax.u32 s11, $0x1;
	s10 =	simm.s32 $0x1  }
0xe: {  	v0 =	vimm.s32 $0x0;
	s11 =	simm.s32 $0x2000;
	s6 =	sadd.s32 s6, s31;
	s8 =	sadd.s32 s29, s31  }
.LBB2_1:
0xf: {  	[tilespmem:s3], [sflag:$0x1] =	stream.linear.gather [hbm4b:s4+s3], $0x2000, $0x38;
	[tilespmem:$0x3400] =	vst v63  }
0x10: {  	_ =	swait.ge [sflag:s10], $0x2000  }
0x11: {  	[sflag:s10] =	ssyncset.done $0x0  }
0x12: {  	[sflag:s10] =	ssyncadd.s32 $0xFFFFE000  }
0x13: {  	[tilespmem:s11], [sflag:$0x1] =	stream.linear.gather [hbm4b:s1+s3], $0x400, $0x38;
	[tilespmem:$0x3400] =	vst v63  }
0x14: {  	_ =	swait.ge [sflag:s10], $0x400  }
0x15: {  	[sflag:s10] =	ssyncset.done $0x0  }
0x16: {  	[sflag:s10] =	ssyncadd.s32 $0xFFFFFC00  }
0x17: {  	v1 =	vld [tilespmem:$0x2000]  }
0x18: {  	s17 =	sand.u32 $0x70, s3;
	s18 =	sand.u32 $0x1C00, s3;
	v2 =	vld [tilespmem:$0x2080]  }
0x19: {  	s17 =	sor.u32 s17, s18;
	v3 =	vld [tilespmem:$0x2100]  }
0x1a: {  	v11 =	vld [tilespmem:s17+$0x80]  }
0x1b: {  	v10 =	vld [tilespmem:s17+$0x0]  }
0x1c: {  	v4 =	vld [tilespmem:$0x2180]  }
0x1d: {  	v8 =	vld [tilespmem:s17+$0x180]  }
0x1e: {  	v13 =	vld [tilespmem:s17+$0x100];
	_ =	sdelay $0x1  }
0x1f: {  	v6 =	vadd.f32 v11, v2  }
0x20: {  	v7 =	vadd.f32 v10, v1  }
0x21: {  	v9 =	vadd.f32 v8, v4;
	vm0 =	vlt.f32 v6, $-Inf;
	vm1 =	vgt.f32 v6, $-Inf  }
0x22: {  	v5 =	vld [tilespmem:$0x2200];
	v15 =	vadd.f32 v13, v3;
	vm2 =	vgt.f32 v6, v7;
	vm0 =	vmor vm1, vm0  }
0x23: {  	v12 =	vld [tilespmem:s17+$0x200];
	vm1 =	vmneg vm2;
	v16 =	vsel vm2, $0x1, v0;
	v14 =	vnsel vm0, $0xFF800000, v6  }
0x24: {  	vm0 =	vmand vm1, vm0;
	v14 =	vsel vm1, v14, v7;
	v7 =	vsel vm1, v7, v6  }
0x25: {  	v17 =	vsel vm0, $0x1, v0;
	v6 =	vld [tilespmem:$0x2280];
	vm0 =	vgt.f32 v15, v14;
	vm1 =	vgt.f32 v15, v7  }
0x26: {  	v18 =	vsel vm0, v15, v14;
	v17 =	vsel vm0, $0x2, v17;
	v14 =	vld [tilespmem:s17+$0x280];
	v20 =	vsel vm1, $0x2, v16  }
0x27: {  	v18 =	vsel vm1, v7, v18;
	v16 =	vsel vm1, v16, v17;
	v17 =	vsel vm1, v15, v7;
	v7 =	vld [tilespmem:$0x2300]  }
0x28: {  	v19 =	vadd.f32 v12, v5;
	v15 =	vld [tilespmem:s17+$0x300];
	vm0 =	vgt.f32 v9, v18  }
0x29: {  	vm1 =	vgt.f32 v9, v17;
	v18 =	vsel vm0, v9, v18;
	v16 =	vsel vm0, $0x3, v16  }
0x2a: {  	v18 =	vsel vm1, v17, v18;
	v21 =	vsel vm1, v20, v16  }
0x2b: {  	v17 =	vsel vm1, v9, v17;
	v20 =	vsel vm1, $0x3, v20;
	vm0 =	vgt.f32 v19, v18  }
0x2c: {  	v9 =	vld [tilespmem:$0x2380];
	vm1 =	vgt.f32 v19, v17;
	v22 =	vadd.f32 v14, v6;
	v18 =	vsel vm0, v19, v18  }
0x2d: {  	v16 =	vld [tilespmem:s17+$0x380];
	v21 =	vsel vm0, $0x4, v21;
	v62 =	vadd.f32 v15, v7;
	v18 =	vsel vm1, v17, v18  }
0x2e: {  	v17 =	vsel vm1, v19, v17;
	v19 =	vsel vm1, $0x4, v20;
	vm0 =	vgt.f32 v22, v18  }
0x2f: {  	v20 =	vsel vm1, v20, v21;
	vm1 =	vgt.f32 v22, v17;
	v18 =	vsel vm0, v22, v18  }
0x30: {  	v20 =	vsel vm0, $0x5, v20;
	v63 =	vsel vm1, $0x5, v19;
	v18 =	vsel vm1, v17, v18  }
0x31: {  	v17 =	vsel vm1, v22, v17;
	v19 =	vsel vm1, v19, v20;
	vm0 =	vgt.f32 v62, v18  }
0x32: {  	v20 =	vadd.f32 v16, v9;
	vm1 =	vgt.f32 v62, v17;
	v18 =	vsel vm0, v62, v18  }
0x33: {  	s21 =	simm.s32 $0x10;
	v19 =	vsel vm0, $0x6, v19;
	v18 =	vsel vm1, v17, v18;
	v17 =	vsel vm1, v62, v17  }
0x34: {  	s22 =	simm.s32 $0x2C10;
	s23 =	simm.s32 $0x3010;
	s24 =	simm.s32 $0x0;
	v19 =	vsel vm1, v63, v19;
	vm0 =	vgt.f32 v20, v17;
	vm2 =	vgt.f32 v20, v18  }
0x35: {  	s25 =	simm.s32 $0x2400;
	s26 =	simm.s32 $0x2800;
	s19 =	simm.s32 $0x2C00;
	v18 =	vsel vm1, $0x6, v63;
	vm0 =	vmneg vm0;
	v17 =	vsel vm2, $0x7, v19  }
0x36: {  	s20 =	simm.s32 $0x3000;
	s18 =	simm.s32 $0x2800;
	s17 =	simm.s32 $0x2400;
	v17 =	vsel vm0, v17, v18;
	v18 =	vnsel vm0, $0x7, v18;
	vm1 =	vmand vm1, vm0  }
.LBB2_2:
0x37: {  	vm2 =	veq.s32 v17, $0x3;
	vm3 =	veq.s32 v17, $0x4;
	vm4 =	veq.s32 v17, $0x5;
	s24 =	sadd.s32 $0x80, s24;
	s25 =	sadd.s32 $0x10, s25;
	s26 =	sadd.s32 $0x10, s26  }
0x38: {  	s28 =	sand.u32 $0x70, s21;
	p0 =	sne.s32 s21, $0x3F0;
	vm5 =	veq.s32 v18, $0x1;
	vm6 =	veq.s32 v17, $0x1;
	vm7 =	veq.s32 v17, $0x2;
	s29 =	sand.u32 $0x1C00, s24  }
0x39: {  	s21 =	sadd.s32 $0x10, s21;
	v19 =	vsel vm5, v11, v10;
	v10 =	vsel vm6, v11, v10;
	vm5 =	veq.s32 v18, $0x2;
	s28 =	sor.u32 s28, s29  }
0x3a: {  	v11 =	vsel vm5, v13, v19;
	v10 =	vsel vm7, v13, v10;
	vm5 =	veq.s32 v18, $0x3  }
0x3b: {  	v11 =	vsel vm5, v8, v11;
	v8 =	vsel vm2, v8, v10;
	vm2 =	veq.s32 v18, $0x4  }
0x3c: {  	v10 =	vsel vm2, v12, v11;
	v8 =	vsel vm3, v12, v8;
	vm2 =	veq.s32 v18, $0x5  }
0x3d: {  	v10 =	vsel vm2, v14, v10;
	v8 =	vsel vm4, v14, v8;
	vm2 =	veq.s32 v17, $0x6  }
0x3e: {  	v10 =	vsel vm1, v15, v10;
	v8 =	vsel vm2, v15, v8;
	vm1 =	veq.s32 v17, $0x7  }
0x3f: {  	v10 =	vsel vm0, v10, v16;
	v8 =	vsel vm1, v16, v8  }
0x40: {  	v11 =	vadd.f32 v8, v10;
	_ =	sdelay $0x1  }
0x41: {  	(erf) = vrcp.f32 v11;
	_ =	sdelay $0x8  }
0x42: {  	v11 =	vpop (erf)  }
0x43: {  	v10 =	vmul.f32 v11, v10;
	v8 =	vmul.f32 v11, v8;
	_ =	sdelay $0x1  }
0x44: {  	[tilespmem:s17+$0x0] =	vst v10;
	s17 =	smov.u32 s25  }
0x45: {  	[tilespmem:s18+$0x0] =	vst v8;
	s18 =	smov.u32 s26  }
0x46: {  	[tilespmem:s19+$0x0] =	vst v18;
	s19 =	smov.u32 s22  }
0x47: {  	[tilespmem:s20+$0x0] =	vst v17;
	s20 =	smov.u32 s23  }
0x48: {  	v10 =	vld [tilespmem:s28+$0x0]  }
0x49: {  	v11 =	vld [tilespmem:s28+$0x80];
	_ =	sdelay $0x2  }
0x4a: {  	v8 =	vld [tilespmem:s28+$0x180]  }
0x4b: {  	v13 =	vld [tilespmem:s28+$0x100]  }
0x4c: {  	v15 =	vadd.f32 v11, v2  }
0x4d: {  	v16 =	vadd.f32 v10, v1  }
0x4e: {  	v12 =	vld [tilespmem:s28+$0x200];
	vm0 =	vlt.f32 v15, $-Inf;
	vm1 =	vgt.f32 v15, $-Inf  }
0x4f: {  	vm2 =	vgt.f32 v15, v16;
	v17 =	vadd.f32 v8, v4;
	vm0 =	vmor vm1, vm0  }
0x50: {  	vm1 =	vmneg vm2;
	v18 =	vadd.f32 v13, v3;
	v14 =	vnsel vm0, $0xFF800000, v15  }
0x51: {  	v20 =	vsel vm2, $0x1, v0;
	vm0 =	vmand vm1, vm0;
	v19 =	vsel vm1, v14, v16  }
0x52: {  	v21 =	vsel vm0, $0x1, v0;
	v16 =	vsel vm1, v16, v15;
	v14 =	vld [tilespmem:s28+$0x280];
	vm0 =	vgt.f32 v18, v19  }
0x53: {  	vm1 =	vgt.f32 v18, v16;
	v15 =	vsel vm0, v18, v19;
	v19 =	vsel vm0, $0x2, v21  }
0x54: {  	v21 =	vadd.f32 v12, v5;
	v23 =	vsel vm1, $0x2, v20;
	v22 =	vsel vm1, v16, v15  }
0x55: {  	v19 =	vsel vm1, v20, v19;
	v16 =	vsel vm1, v18, v16;
	v15 =	vld [tilespmem:s28+$0x300];
	vm0 =	vgt.f32 v17, v22  }
0x56: {  	vm1 =	vgt.f32 v17, v16;
	v18 =	vsel vm0, v17, v22;
	v19 =	vsel vm0, $0x3, v19  }
0x57: {  	v17 =	vsel vm1, v17, v16;
	v18 =	vsel vm1, v16, v18;
	v19 =	vsel vm1, v23, v19  }
0x58: {  	v20 =	vsel vm1, $0x3, v23;
	vm0 =	vgt.f32 v21, v17;
	vm1 =	vgt.f32 v21, v18  }
0x59: {  	v22 =	vadd.f32 v14, v6;
	v16 =	vld [tilespmem:s28+$0x380];
	v18 =	vsel vm1, v21, v18;
	v19 =	vsel vm1, $0x4, v19  }
0x5a: {  	v18 =	vsel vm0, v17, v18;
	v17 =	vsel vm0, v21, v17;
	v21 =	vsel vm0, $0x4, v20  }
0x5b: {  	v23 =	vadd.f32 v15, v7;
	v19 =	vsel vm0, v20, v19;
	vm0 =	vgt.f32 v22, v18  }
0x5c: {  	vm1 =	vgt.f32 v22, v17;
	v18 =	vsel vm0, v22, v18;
	v19 =	vsel vm0, $0x5, v19  }
0x5d: {  	v20 =	vsel vm1, $0x5, v21;
	v18 =	vsel vm1, v17, v18;
	v17 =	vsel vm1, v22, v17  }
0x5e: {  	v19 =	vsel vm1, v21, v19;
	vm1 =	vgt.f32 v23, v17;
	vm0 =	vgt.f32 v23, v18  }
.Ltmp0:
0x5f: {  	v21 =	vadd.f32 v16, v9;
	v18 =	vsel vm0, v23, v18;
	v19 =	vsel vm0, $0x6, v19;
	(pc) =	sbr.rel @p0 .LBB2_2-.Ltmp0, $4  }
0x60: {  	v22 =	vsel vm1, $0x6, v20;
	v18 =	vsel vm1, v17, v18;
	v17 =	vsel vm1, v23, v17  }
0x61: {  	v19 =	vsel vm1, v20, v19;
	vm0 =	vgt.f32 v21, v17;
	vm2 =	vgt.f32 v21, v18  }
0x62: {  	vm0 =	vmneg vm0;
	v17 =	vsel vm2, $0x7, v19  }
0x63: {  	s22 =	sadd.s32 $0x10, s22;
	s23 =	sadd.s32 $0x10, s23;
	v17 =	vsel vm0, v17, v22;
	v18 =	vnsel vm0, $0x7, v22;
	vm1 =	vmand vm1, vm0  }
0x64: {  	vm2 =	veq.s32 v17, $0x3;
	vm3 =	veq.s32 v17, $0x4;
	vm4 =	veq.s32 v17, $0x5  }
0x65: {  	vm5 =	veq.s32 v18, $0x1;
	vm6 =	veq.s32 v17, $0x1;
	vm7 =	veq.s32 v17, $0x2  }
0x66: {  	vm10 =	veq.s32 v18, $0x2;
	v1 =	vsel vm5, v11, v10;
	v2 =	vsel vm6, v11, v10  }
0x67: {  	vm11 =	veq.s32 v18, $0x3;
	v1 =	vsel vm10, v13, v1;
	v2 =	vsel vm7, v13, v2  }
0x68: {  	vm12 =	veq.s32 v18, $0x4;
	v1 =	vsel vm11, v8, v1;
	v2 =	vsel vm2, v8, v2  }
0x69: {  	vm13 =	veq.s32 v18, $0x5;
	v1 =	vsel vm12, v12, v1;
	v2 =	vsel vm3, v12, v2  }
0x6a: {  	vm14 =	veq.s32 v17, $0x6;
	v1 =	vsel vm13, v14, v1;
	v2 =	vsel vm4, v14, v2  }
0x6b: {  	vm15 =	veq.s32 v17, $0x7;
	v1 =	vsel vm1, v15, v1;
	v2 =	vsel vm14, v15, v2  }
0x6c: {  	v1 =	vsel vm0, v1, v16;
	v2 =	vsel vm15, v16, v2  }
0x6d: {  	v3 =	vadd.f32 v2, v1;
	_ =	sdelay $0x1  }
0x6e: {  	(erf) = vrcp.f32 v3;
	_ =	sdelay $0x8  }
0x6f: {  	v3 =	vpop (erf)  }
0x70: {  	v1 =	vmul.f32 v3, v1  }
0x71: {  	v2 =	vmul.f32 v3, v2  }
0x72: {  	[tilespmem:s17+$0x0] =	vst v1  }
0x73: {  	[tilespmem:s18+$0x0] =	vst v2  }
0x74: {  	[tilespmem:s19+$0x0] =	vst v18  }
0x75: {  	[tilespmem:s20+$0x0] =	vst v17  }
0x76: {  	[hbm4b:s5+s3] =	stream.linear.scatter [tilespmem:s12], [sflag:$0x1], $0x400, $0x38;
	[tilespmem:$0x3400] =	vst v63  }
0x77: {  	_ =	swait.ge [sflag:s10], $0x400  }
0x78: {  	[sflag:s10] =	ssyncset.done $0x0  }
0x79: {  	[sflag:s10] =	ssyncadd.s32 $0xFFFFFC00  }
0x7a: {  	[hbm4b:s6+s3] =	stream.linear.scatter [tilespmem:s13], [sflag:$0x1], $0x400, $0x38;
	[tilespmem:$0x3400] =	vst v63  }
0x7b: {  	_ =	swait.ge [sflag:s10], $0x400  }
0x7c: {  	[sflag:s10] =	ssyncset.done $0x0  }
0x7d: {  	[sflag:s10] =	ssyncadd.s32 $0xFFFFFC00  }
0x7e: {  	[hbm4b:s7+s3] =	stream.linear.scatter [tilespmem:s14], [sflag:$0x1], $0x400, $0x38;
	[tilespmem:$0x3400] =	vst v63  }
0x7f: {  	s16 =	sadd.s32 $0x1, s16;
	_ =	swait.ge [sflag:s10], $0x400  }
0x80: {  	p0 =	sne.s32 s16, s9;
	[sflag:s10] =	ssyncset.done $0x0  }
.Ltmp1:
0x81: {  	[sflag:s10] =	ssyncadd.s32 $0xFFFFFC00;
	(pc) =	sbr.rel @p0 .LBB2_1-.Ltmp1, $4  }
0x82: {  	[hbm4b:s8+s3] =	stream.linear.scatter [tilespmem:s15], [sflag:$0x1], $0x400, $0x38;
	[tilespmem:$0x3400] =	vst v63  }
0x83: {  	_ =	swait.ge [sflag:s10], $0x400  }
0x84: {  	[sflag:s10] =	ssyncset.done $0x0  }
0x85: {  	[sflag:s10] =	ssyncadd.s32 $0xFFFFFC00  }
0x86: {  	_ =	sfence.sel $0x180000  }
0x87: {  	[bflag:$0x0] =	sbarrier.arrive $0xFFFF  }
0x88: {  	p0 =	sne.s32 s2, $0x0;
	_ =	strace $0x90000047  }
0x89: {  	s0 =	sadd.s32 @!p0 $0x100000, s0;
	[bflag:$0x2] =	sbarrier.arrive $0xFFFF  }
0x8a: {  	[sflag:s0] =	ssyncadd.tile.s32 @!p0 $0x1;
	_ =	shalt  }
.Lfunc_end2:
_tile_overlayer_lowered:
.L_overlay_start_2:
0x8b: {  	(tag) =	ssettag $0x2  }
0x8c: {  	s0 =	rddreg [dreg:$0x0];
	s2 =	stileid.u32  }
0x8d: {  	s1 =	rddreg [dreg:$0x1];
	p0 =	sne.s32 s2, $0x0  }
0x8e: {  	s3 =	rddreg [dreg:$0x2];
	[bflag:$0x3] =	sbarrier.arrive $0xFFFF;
	s2 =	simm.s32 @!p0 $0x1C01  }
0x8f: {  	[timem:s3], [sflag:s2] =	dma.local @!p0 [hbm:s0], s1  }
0x90: {  	s0 =	simm.s32 @!p0 $0x1  }
0x91: {  	_ =	swait.ge @!p0 [sflag:s0], s1  }
0x92: {  	s1 =	ssub.s32 @!p0 $0x0, s1;
	[sflag:s0] =	ssyncset.done @!p0 $0x0  }
0x93: {  	[sflag:s0] =	ssyncadd.s32 @!p0 s1  }
0x94: {  	[bflag:$0x3] =	sbarrier.arrive $0xFFFF  }
0x95: {  	_ =	shalt  }

</sc_bundles>
